<compile_context>
chip_gen: v7x
topology: tpu7x:2x2x1
jax: 0.10.2.dev20260603
libtpu: 0.0.44.dev20260713+nightly
codegen_flags: <defaults>
</compile_context>

<pallas_src>
import dataclasses
import jax
import jax.numpy as jnp
from jax import lax
from jax.experimental import pallas as pl
from jax.experimental.pallas import tpu as pltpu
from jax.experimental.pallas import tpu_sc as plsc

N = 10000
E = 320000
D_IN = 128
D_H = 128
D_OUT = 64
NUM_REL = 4
NUM_BLOCKS = 2
MAX_DEG = 10
NUM_GRAPHS = 64

NC = 2
NS = 16
NW = NC * NS
EPW = E // NW
KH = 2000
KE = 80

_mesh = plsc.VectorSubcoreMesh(
    core_axis_name="c", subcore_axis_name="s", num_cores=NC, num_subcores=NS)

_cp = pltpu.CompilerParams()
if "needs_layout_passes" in pltpu.CompilerParams.__dataclass_fields__:
    _cp = dataclasses.replace(_cp, needs_layout_passes=False)


def _wid():
    return lax.axis_index("s") * NC + lax.axis_index("c")


def _hist_kernel(sidx_hbm, zeros_hbm, out_hbm, idx_v, hist_v, sem):
    wid = _wid()
    ones = jnp.ones((16,), jnp.float32)
    pltpu.sync_copy(zeros_hbm, hist_v)

    @pl.loop(0, EPW // KH)
    def _(c):
        off = wid * EPW + c * KH
        pltpu.sync_copy(sidx_hbm.at[pl.ds(off, KH)], idx_v.at[0])

        @pl.loop(0, KH, step=16)
        def _(kk):
            iv = idx_v[0, pl.ds(kk, 16)]
            plsc.addupdate_scatter(hist_v, [iv], ones)

    pltpu.sync_copy(hist_v, out_hbm.at[wid])


@jax.jit
def _sc_hist(sidx):
    zeros = jnp.zeros((N * NUM_REL,), jnp.float32)
    f = pl.kernel(
        _hist_kernel,
        out_type=jax.ShapeDtypeStruct((NW, N * NUM_REL), jnp.float32),
        mesh=_mesh,
        compiler_params=_cp,
        scratch_types=[
            pltpu.VMEM((1, KH), jnp.int32),
            pltpu.VMEM((N * NUM_REL,), jnp.float32),
            pltpu.SemaphoreType.DMA,
        ],
    )
    return jnp.sum(f(sidx, zeros), axis=0)



def _sgather_kernel(sidx_hbm, inv_hbm, s_hbm, idx_v, sbuf_v, inv_v, sem):
    wid = _wid()
    pltpu.sync_copy(inv_hbm, inv_v)

    @pl.loop(0, EPW // KH)
    def _(c):
        off = wid * EPW + c * KH
        pltpu.sync_copy(sidx_hbm.at[pl.ds(off, KH)], idx_v.at[0])

        @pl.loop(0, KH, step=16)
        def _(kk):
            iv = idx_v[0, pl.ds(kk, 16)]
            sbuf_v[0, pl.ds(kk, 16)] = plsc.load_gather(inv_v, [iv])

        pltpu.sync_copy(sbuf_v.at[0], s_hbm.at[pl.ds(off, KH)])


@jax.jit
def _sc_sgather(sidx, inv):
    f = pl.kernel(
        _sgather_kernel,
        out_type=jax.ShapeDtypeStruct((E,), jnp.float32),
        mesh=_mesh,
        compiler_params=_cp,
        scratch_types=[
            pltpu.VMEM((1, KH), jnp.int32),
            pltpu.VMEM((1, KH), jnp.float32),
            pltpu.VMEM((N * NUM_REL,), jnp.float32),
            pltpu.SemaphoreType.DMA,
        ],
    )
    return f(sidx, inv)


NCH = EPW // KE


def _rgcn_kernel(ytab_hbm, gidx_hbm, didxp_hbm, s_hbm, zeros_hbm, out_hbm,
                 gidx_v, didx_v, s_v, rows0, rows1, acc,
                 gsem0, gsem1, ssem0, ssem1):
    core = lax.axis_index("c")
    sub = lax.axis_index("s")
    wid = _wid()
    rows = N // 10
    base = wid * EPW
    rbufs = (rows0, rows1)
    gsems = (gsem0, gsem1)
    ssems = (ssem0, ssem1)

    @pl.when(sub < 10)
    def _():
        pltpu.sync_copy(zeros_hbm.at[pl.ds(sub * rows, rows)],
                        acc.at[pl.ds(sub * rows, rows)])
    pltpu.sync_copy(gidx_hbm.at[pl.ds(base, EPW)], gidx_v)
    pltpu.sync_copy(didxp_hbm.at[pl.ds(wid * 128, 128)], didx_v)
    plsc.subcore_barrier()

    def start_gather(c, b):
        pltpu.async_copy(ytab_hbm.at[gidx_v.at[pl.ds(c * KE, KE)]],
                         rbufs[b], gsems[b])

    def wait_gather(c, b):
        pltpu.make_async_copy(ytab_hbm.at[gidx_v.at[pl.ds(c * KE, KE)]],
                              rbufs[b], gsems[b]).wait()

    def start_scatter(c, b):
        pltpu.async_copy(rbufs[b], acc.at[didx_v.at[c]], ssems[b], add=True)

    def wait_scatter(c, b):
        pltpu.make_async_copy(rbufs[b], acc.at[didx_v.at[c]],
                              ssems[b]).wait()

    def scale(c, b):
        rv = rbufs[b]
        pltpu.sync_copy(s_hbm.at[pl.ds(base + c * KE, KE)], s_v.at[b])

        @pl.loop(0, KE, step=16)
        def _(kk):
            sv = s_v[b, pl.ds(kk, 16)]
            for j in range(16):
                row = rv.at[kk + j]
                sj = jnp.full((16,), sv[j], jnp.float32)
                for q in range(8):
                    sl = pl.ds(q * 16, 16)
                    row[sl] = row[sl] * sj

    start_gather(0, 0)

    @pl.loop(0, NCH // 2)
    def _(j):
        c0 = 2 * j

        @pl.when(j > 0)
        def _():
            wait_scatter(c0 - 1, 1)
        start_gather(c0 + 1, 1)
        wait_gather(c0, 0)
        scale(c0, 0)
        start_scatter(c0, 0)

        wait_scatter(c0, 0)

        @pl.when(c0 + 2 < NCH)
        def _():
            start_gather(c0 + 2, 0)
        wait_gather(c0 + 1, 1)
        scale(c0 + 1, 1)
        start_scatter(c0 + 1, 1)

    if NCH % 2 == 1:
        wait_scatter(NCH - 2, 1)
        wait_gather(NCH - 1, 0)
        scale(NCH - 1, 0)
        start_scatter(NCH - 1, 0)
        wait_scatter(NCH - 1, 0)
    else:
        wait_scatter(NCH - 1, 1)

    plsc.subcore_barrier()

    @pl.when(sub < 10)
    def _():
        pltpu.sync_copy(acc.at[pl.ds(sub * rows, rows)],
                        out_hbm.at[core].at[pl.ds(sub * rows, rows)])


@jax.jit
def _sc_rgcn(ytab, gidx, didxp, s):
    zeros = jnp.zeros((N, D_H), jnp.float32)
    f = pl.kernel(
        _rgcn_kernel,
        out_type=jax.ShapeDtypeStruct((NC, N, D_H), jnp.float32),
        mesh=_mesh,
        compiler_params=_cp,
        scratch_types=[
            pltpu.VMEM((EPW,), jnp.int32),
            pltpu.VMEM((128, KE), jnp.int32),
            pltpu.VMEM((2, KE), jnp.float32),
            pltpu.VMEM((KE, D_H), jnp.float32),
            pltpu.VMEM((KE, D_H), jnp.float32),
            pltpu.VMEM_SHARED((N, D_H), jnp.float32),
            pltpu.SemaphoreType.DMA,
            pltpu.SemaphoreType.DMA,
            pltpu.SemaphoreType.DMA,
            pltpu.SemaphoreType.DMA,
        ],
    )
    return f(ytab, gidx, didxp, s, zeros)


def _agg_kernel(htab_hbm, gidx_hbm, didxp_hbm, zeros_hbm, out_hbm,
                gidx_v, didx_v, rows0, rows1, acc,
                gsem0, gsem1, ssem0, ssem1):
    core = lax.axis_index("c")
    sub = lax.axis_index("s")
    wid = _wid()
    rows = N // 10
    base = wid * EPW
    rbufs = (rows0, rows1)
    gsems = (gsem0, gsem1)
    ssems = (ssem0, ssem1)

    @pl.when(sub < 10)
    def _():
        pltpu.sync_copy(zeros_hbm.at[pl.ds(sub * rows, rows)],
                        acc.at[pl.ds(sub * rows, rows)])
    pltpu.sync_copy(gidx_hbm.at[pl.ds(base, EPW)], gidx_v)
    pltpu.sync_copy(didxp_hbm.at[pl.ds(wid * 128, 128)], didx_v)
    plsc.subcore_barrier()

    def start_gather(c, b):
        pltpu.async_copy(htab_hbm.at[gidx_v.at[pl.ds(c * KE, KE)]],
                         rbufs[b], gsems[b])

    def wait_gather(c, b):
        pltpu.make_async_copy(htab_hbm.at[gidx_v.at[pl.ds(c * KE, KE)]],
                              rbufs[b], gsems[b]).wait()

    def start_scatter(c, b):
        pltpu.async_copy(rbufs[b], acc.at[didx_v.at[c]], ssems[b], add=True)

    def wait_scatter(c, b):
        pltpu.make_async_copy(rbufs[b], acc.at[didx_v.at[c]],
                              ssems[b]).wait()

    start_gather(0, 0)

    @pl.loop(0, NCH // 2)
    def _(j):
        c0 = 2 * j

        @pl.when(j > 0)
        def _():
            wait_scatter(c0 - 1, 1)
        start_gather(c0 + 1, 1)
        wait_gather(c0, 0)
        start_scatter(c0, 0)

        wait_scatter(c0, 0)

        @pl.when(c0 + 2 < NCH)
        def _():
            start_gather(c0 + 2, 0)
        wait_gather(c0 + 1, 1)
        start_scatter(c0 + 1, 1)

    if NCH % 2 == 1:
        wait_scatter(NCH - 2, 1)
        wait_gather(NCH - 1, 0)
        start_scatter(NCH - 1, 0)
        wait_scatter(NCH - 1, 0)
    else:
        wait_scatter(NCH - 1, 1)

    plsc.subcore_barrier()

    @pl.when(sub < 10)
    def _():
        pltpu.sync_copy(acc.at[pl.ds(sub * rows, rows)],
                        out_hbm.at[core].at[pl.ds(sub * rows, rows)])


@jax.jit
def _sc_agg(htab, gidx, didxp):
    zeros = jnp.zeros((N, D_H), jnp.float32)
    f = pl.kernel(
        _agg_kernel,
        out_type=jax.ShapeDtypeStruct((NC, N, D_H), jnp.float32),
        mesh=_mesh,
        compiler_params=_cp,
        scratch_types=[
            pltpu.VMEM((EPW,), jnp.int32),
            pltpu.VMEM((128, KE), jnp.int32),
            pltpu.VMEM((KE, D_H), jnp.float32),
            pltpu.VMEM((KE, D_H), jnp.float32),
            pltpu.VMEM_SHARED((N, D_H), jnp.float32),
            pltpu.SemaphoreType.DMA,
            pltpu.SemaphoreType.DMA,
            pltpu.SemaphoreType.DMA,
            pltpu.SemaphoreType.DMA,
        ],
    )
    return f(htab, gidx, didxp, zeros)


BN = 1000
NBLK = N // BN


def _emb_body(x_ref, w_ref, b_ref, o_ref):
    o_ref[...] = jnp.dot(x_ref[...].astype(jnp.bfloat16), w_ref[...],
                         preferred_element_type=jnp.float32) + b_ref[...]


def _tc_emb(x, w, b):
    return pl.pallas_call(
        _emb_body,
        grid=(NBLK,),
        in_specs=[pl.BlockSpec((BN, D_IN), lambda i: (i, 0)),
                  pl.BlockSpec((D_IN, D_H), lambda i: (0, 0)),
                  pl.BlockSpec((1, D_H), lambda i: (0, 0))],
        out_specs=pl.BlockSpec((BN, D_H), lambda i: (i, 0)),
        out_shape=jax.ShapeDtypeStruct((N, D_H), jnp.float32),
    )(x, w.astype(jnp.bfloat16), b.reshape(1, D_H))


def _rgcnprep_body(h_ref, w_ref, b_ref, base_ref, ytab_ref):
    hr = jnp.maximum(h_ref[...], 0.0).astype(jnp.bfloat16)
    y = jnp.dot(hr, w_ref[...], preferred_element_type=jnp.float32)
    base_ref[...] = y[:, :D_H] + b_ref[...]
    ytab_ref[...] = y[:, D_H:]


def _tc_rgcnprep(h, wfull, b):
    return pl.pallas_call(
        _rgcnprep_body,
        grid=(NBLK,),
        in_specs=[pl.BlockSpec((BN, D_H), lambda i: (i, 0)),
                  pl.BlockSpec((D_H, 5 * D_H), lambda i: (0, 0)),
                  pl.BlockSpec((1, D_H), lambda i: (0, 0))],
        out_specs=[pl.BlockSpec((BN, D_H), lambda i: (i, 0)),
                   pl.BlockSpec((BN, NUM_REL * D_H), lambda i: (i, 0))],
        out_shape=[jax.ShapeDtypeStruct((N, D_H), jnp.float32),
                   jax.ShapeDtypeStruct((N, NUM_REL * D_H), jnp.float32)],
    )(h, wfull.astype(jnp.bfloat16), b.reshape(1, D_H))


def _combine_body(base_ref, p_ref, o_ref):
    o_ref[...] = jnp.maximum(base_ref[...] + p_ref[0] + p_ref[1], 0.0)


def _tc_combine(base, parts):
    return pl.pallas_call(
        _combine_body,
        grid=(NBLK,),
        in_specs=[pl.BlockSpec((BN, D_H), lambda i: (i, 0)),
                  pl.BlockSpec((NC, BN, D_H), lambda i: (0, i, 0))],
        out_specs=pl.BlockSpec((BN, D_H), lambda i: (i, 0)),
        out_shape=jax.ShapeDtypeStruct((N, D_H), jnp.float32),
    )(base, parts)


def _mf_body(deg_ref, agg_ref, hm_ref, wl_ref, bl_ref, o_ref):
    z = jnp.concatenate([agg_ref[0] + agg_ref[1],
                         hm_ref[...]], axis=1).astype(jnp.bfloat16)
    d2 = deg_ref[...]
    bl = bl_ref[...]
    acc = jnp.zeros((BN, D_H), jnp.float32)
    for dd in range(MAX_DEG + 1):
        r = jnp.dot(z, wl_ref[dd], preferred_element_type=jnp.float32) + bl[dd]
        acc = jnp.where(d2 == dd, r, acc)
    o_ref[...] = acc


def _tc_mfconv(deg2, aggparts, hm, wl, bl):
    return pl.pallas_call(
        _mf_body,
        grid=(NBLK,),
        in_specs=[pl.BlockSpec((BN, 1), lambda i: (i, 0)),
                  pl.BlockSpec((NC, BN, D_H), lambda i: (0, i, 0)),
                  pl.BlockSpec((BN, D_H), lambda i: (i, 0)),
                  pl.BlockSpec((MAX_DEG + 1, 2 * D_H, D_H),
                               lambda i: (0, 0, 0)),
                  pl.BlockSpec((MAX_DEG + 1, D_H), lambda i: (0, 0))],
        out_specs=pl.BlockSpec((BN, D_H), lambda i: (i, 0)),
        out_shape=jax.ShapeDtypeStruct((N, D_H), jnp.float32),
    )(deg2, aggparts, hm, wl.astype(jnp.bfloat16), bl)


def _pool_body(bi_ref, h_ref, w1_ref, b1_ref, w2_ref, b2_ref, o_ref, acc_ref):
    i = pl.program_id(0)

    @pl.when(i == 0)
    def _():
        acc_ref[...] = jnp.zeros_like(acc_ref)

    bb2 = bi_ref[...]
    oh = (bb2 == jax.lax.broadcasted_iota(jnp.int32, (1, NUM_GRAPHS),
                                          1)).astype(jnp.float32)
    acc_ref[...] += jax.lax.dot_general(
        oh, h_ref[...], (((0,), (0,)), ((), ())),
        preferred_element_type=jnp.float32)

    @pl.when(i == NBLK - 1)
    def _():
        t = jnp.maximum(jnp.dot(acc_ref[...], w1_ref[...],
                                preferred_element_type=jnp.float32)
                        + b1_ref[...], 0.0)
        o_ref[...] = jnp.dot(t, w2_ref[...],
                             preferred_element_type=jnp.float32) + b2_ref[...]


def _tc_pool_mlp(bi2, h, w1, b1, w2, b2):
    return pl.pallas_call(
        _pool_body,
        grid=(NBLK,),
        in_specs=[pl.BlockSpec((BN, 1), lambda i: (i, 0)),
                  pl.BlockSpec((BN, D_H), lambda i: (i, 0)),
                  pl.BlockSpec((D_H, D_H), lambda i: (0, 0)),
                  pl.BlockSpec((1, D_H), lambda i: (0, 0)),
                  pl.BlockSpec((D_H, D_OUT), lambda i: (0, 0)),
                  pl.BlockSpec((1, D_OUT), lambda i: (0, 0))],
        out_specs=pl.BlockSpec((NUM_GRAPHS, D_OUT), lambda i: (0, 0)),
        out_shape=jax.ShapeDtypeStruct((NUM_GRAPHS, D_OUT), jnp.float32),
        scratch_shapes=[pltpu.VMEM((NUM_GRAPHS, D_H), jnp.float32)],
    )(bi2, h, w1, b1.reshape(1, D_H), w2, b2.reshape(1, D_OUT))


def kernel(x, edge_index, edge_attr, batch_idx, W_emb, b_emb, rgcn_w,
           rgcn_root, rgcn_b, mf_wl, mf_bl, mf_wr, W1, b1, W2, b2):
    src, dst = edge_index[0], edge_index[1]
    gidx = src * NUM_REL + edge_attr
    sidx = dst * NUM_REL + edge_attr
    didx = dst
    didxp = jnp.pad(dst.reshape(NW, NCH, KE), ((0, 0), (0, 128 - NCH), (0, 0))
                    ).reshape(NW * 128, KE)

    cnt = _sc_hist(sidx)
    cnt2 = cnt.reshape(N, NUM_REL)
    deg = jnp.clip(jnp.sum(cnt2, axis=1), 0, MAX_DEG).astype(jnp.int32)
    deg2 = deg.reshape(N, 1)
    inv = 1.0 / jnp.clip(cnt, 1.0, None)
    s_edge = _sc_sgather(sidx, inv)

    h = _tc_emb(x, W_emb, b_emb)
    for l in range(NUM_BLOCKS):
        wfull = jnp.concatenate(
            [rgcn_root[l],
             jnp.transpose(rgcn_w[l], (1, 0, 2)).reshape(D_H, NUM_REL * D_H)],
            axis=1)
        base, ytab = _tc_rgcnprep(h, wfull, rgcn_b[l])
        msgp = _sc_rgcn(ytab.reshape(N * NUM_REL, D_H), gidx, didxp, s_edge)
        hm = _tc_combine(base, msgp)
        aggp = _sc_agg(hm, src, didxp)
        wl = jnp.concatenate([mf_wl[l], mf_wr[l]], axis=1)
        h = _tc_mfconv(deg2, aggp, hm, wl, mf_bl[l])

    bi2 = batch_idx.reshape(N, 1)
    return _tc_pool_mlp(bi2, h, W1, b1, W2, b2)

# --- scband reference (transcript-rebuilt; emitter-appended) ---
"""Pipeline reference for scband-gnn-41910290874993 (READ-ONLY COPY).

The authoritative reference and input builder live on the scoring server;
editing this copy changes nothing except your own understanding.
"""

import jax, jax.numpy as jnp
import numpy as np

N = 10000
E = 320000
D_IN = 128
D_H = 128
D_OUT = 64
NUM_REL = 4
NUM_BLOCKS = 2
MAX_DEG = 10
NUM_GRAPHS = 64


def setup_inputs(seed: int = 0):
    key = jax.random.key(seed)
    ks = jax.random.split(key, 12)
    s = 0.05
    inp = {}
    inp["x"] = jax.random.normal(ks[0], (N, D_IN), jnp.float32)
    inp["edge_index"] = jax.random.randint(ks[1], (2, E), 0, N).astype(jnp.int32)
    inp["edge_attr"] = jax.random.randint(ks[2], (E,), 0, NUM_REL).astype(jnp.int32)
    inp["batch_idx"] = jnp.sort(jax.random.randint(ks[3], (N,), 0, NUM_GRAPHS)).astype(jnp.int32)
    inp["W_emb"] = jax.random.normal(ks[4], (D_IN, D_H), jnp.float32) * s
    inp["b_emb"] = jnp.zeros((D_H,), jnp.float32)
    inp["rgcn_w"] = jax.random.normal(ks[5], (NUM_BLOCKS, NUM_REL, D_H, D_H), jnp.float32) * s
    inp["rgcn_root"] = jax.random.normal(ks[6], (NUM_BLOCKS, D_H, D_H), jnp.float32) * s
    inp["rgcn_b"] = jnp.zeros((NUM_BLOCKS, D_H), jnp.float32)
    inp["mf_wl"] = jax.random.normal(ks[7], (NUM_BLOCKS, MAX_DEG + 1, D_H, D_H), jnp.float32) * s
    inp["mf_bl"] = jnp.zeros((NUM_BLOCKS, MAX_DEG + 1, D_H), jnp.float32)
    inp["mf_wr"] = jax.random.normal(ks[8], (NUM_BLOCKS, MAX_DEG + 1, D_H, D_H), jnp.float32) * s
    inp["W1"] = jax.random.normal(ks[9], (D_H, D_H), jnp.float32) * s
    inp["b1"] = jnp.zeros((D_H,), jnp.float32)
    inp["W2"] = jax.random.normal(ks[10], (D_H, D_OUT), jnp.float32) * s
    inp["b2"] = jnp.zeros((D_OUT,), jnp.float32)
    return inp


def _rgcn(x, src, dst, edge_type, W, root, b):
    # RGCNConv: out_i = x_i @ root + b + sum_r mean_{j in N_r(i)} x_j @ W_r
    out = x @ root + b
    for r in range(NUM_REL):
        mask = (edge_type == r).astype(x.dtype)
        h = jnp.zeros((N, D_H), x.dtype).at[dst].add(x[src] * mask[:, None])
        cnt = jnp.zeros((N,), x.dtype).at[dst].add(mask)
        h = h / jnp.clip(cnt, 1.0, None)[:, None]
        out = out + h @ W[r]
    return out


def _mfconv(x, src, dst, deg, Wl, bl, Wr):
    # MFConv: out_i = Wl[deg_i](sum_{j in N(i)} x_j) + bl[deg_i] + Wr[deg_i](x_i)
    h = jnp.zeros((N, D_H), x.dtype).at[dst].add(x[src])
    out = jnp.zeros((N, D_H), x.dtype)
    for d in range(MAX_DEG + 1):
        r = h @ Wl[d] + bl[d] + x @ Wr[d]
        out = jnp.where((deg == d)[:, None], r, out)
    return out


def reference(x, edge_index, edge_attr, batch_idx, W_emb, b_emb, rgcn_w, rgcn_root, rgcn_b, mf_wl, mf_bl, mf_wr, W1, b1, W2, b2):
    src, dst = edge_index[0], edge_index[1]
    deg = jnp.clip(jnp.zeros((N,), jnp.int32).at[dst].add(1), 0, MAX_DEG)
    h = x @ W_emb + b_emb
    for l in range(NUM_BLOCKS):
        h = jax.nn.relu(h)
        h = _rgcn(h, src, dst, edge_attr, rgcn_w[l], rgcn_root[l], rgcn_b[l])
        h = jax.nn.relu(h)
        h = _mfconv(h, src, dst, deg, mf_wl[l], mf_bl[l], mf_wr[l])
    pooled = jax.ops.segment_sum(h, batch_idx, num_segments=NUM_GRAPHS)
    out = jax.nn.relu(pooled @ W1 + b1) @ W2 + b2
    return out

if __name__ == "__main__":
    import jax
    _d = setup_inputs()
    print(jax.jit(kernel)(*tuple(_d.values())))

</pallas_src>

<mosaic_0001>
#map = affine_map<(d0, d1) -> (0)>
#map1 = affine_map<(d0, d1) -> (0, 0)>
module attributes {stable_mosaic.version = 14 : i64} {
  func.func @_hist_kernel(%arg0: i32, %arg1: i32, %arg2: memref<320000xi32, #tpu.memory_space<hbm>>, %arg3: memref<40000xf32, #tpu.memory_space<hbm>>, %arg4: memref<32x40000xf32, #tpu.memory_space<hbm>>, %arg5: memref<1x2000xi32, #tpu.memory_space<vmem>>, %arg6: memref<40000xf32, #tpu.memory_space<vmem>>, %arg7: memref<!tpu.dma_semaphore, #tpu.memory_space<semaphore_mem>>) attributes {dimension_semantics = [#tpu.dimension_semantics<core_parallel>, #tpu.dimension_semantics<subcore_parallel>], iteration_bounds = array<i64: 2, 16>, scalar_prefetch = 0 : i64, scratch_operands = 3 : i64, tpu.core_type = #tpu.core_type<sc_vector_subcore>, window_params = [{transform_indices = #map}, {transform_indices = #map}, {transform_indices = #map1}]} {
    %mul3A = arith.constant 2 : i32
    %mul3A_0 = arith.muli %arg1, %mul3A : i32
    %add3A = arith.addi %mul3A_0, %arg0 : i32
    %broadcast_in_dim3A = arith.constant 1.000000e+00 : f32
    %broadcast_in_dim3A_1 = vector.broadcast %broadcast_in_dim3A : f32 to vector<16xf32>
    "tpu.region"() ({
      %run_scoped3A = tpu.sem_alloc : memref<!tpu.dma_semaphore, #tpu.memory_space<semaphore_mem>>
      tpu.enqueue_dma source(%arg3 : memref<40000xf32, #tpu.memory_space<hbm>>) target(%arg6 : memref<40000xf32, #tpu.memory_space<vmem>>) target_semaphore(%run_scoped3A : memref<!tpu.dma_semaphore, #tpu.memory_space<semaphore_mem>>)
      tpu.wait_dma2 semaphore(%run_scoped3A : memref<!tpu.dma_semaphore, #tpu.memory_space<semaphore_mem>>) src(%arg3 : memref<40000xf32, #tpu.memory_space<hbm>>) dst(%arg6 : memref<40000xf32, #tpu.memory_space<vmem>>)
      tpu.yield
    }) : () -> ()
    %scan3A = arith.constant 0 : i32
    %scan3A_2 = arith.constant 5 : i32
    %scan3A_3 = arith.addi %scan3A, %scan3A_2 : i32
    %scan3A_4 = arith.constant 1 : i32
    scf.for %scan3A_6 = %scan3A to %scan3A_3 step %scan3A_4  : i32 {
      %mul3A_7 = arith.constant 1 : i32
      %mul3A_8 = arith.muli %scan3A_6, %mul3A_7 : i32
      %add3A_9 = arith.constant 0 : i32
      %add3A_10 = arith.addi %add3A_9, %mul3A_8 : i32
      %mul3A_11 = arith.constant 10000 : i32
      %mul3A_12 = arith.muli %add3A, %mul3A_11 : i32
      %mul3A_13 = arith.constant 2000 : i32
      %mul3A_14 = arith.muli %add3A_10, %mul3A_13 : i32
      %add3A_15 = arith.addi %mul3A_12, %mul3A_14 : i32
      %run_scoped3A = arith.constant 0 : i32
      "tpu.region"() ({
        %run_scoped3A_21 = tpu.sem_alloc : memref<!tpu.dma_semaphore, #tpu.memory_space<semaphore_mem>>
        %dma_start3A = arith.constant 0 : i32
        %dma_start3A_22 = tpu.memref_slice %arg5[%run_scoped3A, %dma_start3A] : memref<1x2000xi32, #tpu.memory_space<vmem>> -> memref<1x2000xi32, #tpu.memory_space<vmem>>
        %dma_start3A_23 = tpu.memref_squeeze %dma_start3A_22 : memref<1x2000xi32, #tpu.memory_space<vmem>> -> memref<2000xi32, #tpu.memory_space<vmem>>
        %dma_start3A_24 = tpu.memref_slice %arg2[%add3A_15] : memref<320000xi32, #tpu.memory_space<hbm>> -> memref<2000xi32, #tpu.memory_space<hbm>>
        %dma_start3A_25 = arith.constant 0 : i32
        %dma_start3A_26 = tpu.memref_slice %arg5[%run_scoped3A, %dma_start3A_25] : memref<1x2000xi32, #tpu.memory_space<vmem>> -> memref<1x2000xi32, #tpu.memory_space<vmem>>
        %dma_start3A_27 = tpu.memref_squeeze %dma_start3A_26 : memref<1x2000xi32, #tpu.memory_space<vmem>> -> memref<2000xi32, #tpu.memory_space<vmem>>
        %dma_start3A_28 = tpu.memref_slice %arg2[%add3A_15] : memref<320000xi32, #tpu.memory_space<hbm>> -> memref<2000xi32, #tpu.memory_space<hbm>>
        tpu.enqueue_dma source(%dma_start3A_28 : memref<2000xi32, #tpu.memory_space<hbm>>) target(%dma_start3A_27 : memref<2000xi32, #tpu.memory_space<vmem>>) target_semaphore(%run_scoped3A_21 : memref<!tpu.dma_semaphore, #tpu.memory_space<semaphore_mem>>)
        %dma_wait3A = arith.constant 0 : i32
        %dma_wait3A_29 = tpu.memref_slice %arg5[%run_scoped3A, %dma_wait3A] : memref<1x2000xi32, #tpu.memory_space<vmem>> -> memref<1x2000xi32, #tpu.memory_space<vmem>>
        %dma_wait3A_30 = tpu.memref_squeeze %dma_wait3A_29 : memref<1x2000xi32, #tpu.memory_space<vmem>> -> memref<2000xi32, #tpu.memory_space<vmem>>
        %dma_wait3A_31 = tpu.memref_slice %arg2[%add3A_15] : memref<320000xi32, #tpu.memory_space<hbm>> -> memref<2000xi32, #tpu.memory_space<hbm>>
        %dma_wait3A_32 = arith.constant 0 : i32
        %dma_wait3A_33 = tpu.memref_slice %arg5[%run_scoped3A, %dma_wait3A_32] : memref<1x2000xi32, #tpu.memory_space<vmem>> -> memref<1x2000xi32, #tpu.memory_space<vmem>>
        %dma_wait3A_34 = tpu.memref_squeeze %dma_wait3A_33 : memref<1x2000xi32, #tpu.memory_space<vmem>> -> memref<2000xi32, #tpu.memory_space<vmem>>
        %dma_wait3A_35 = tpu.memref_slice %arg2[%add3A_15] : memref<320000xi32, #tpu.memory_space<hbm>> -> memref<2000xi32, #tpu.memory_space<hbm>>
        tpu.wait_dma2 semaphore(%run_scoped3A_21 : memref<!tpu.dma_semaphore, #tpu.memory_space<semaphore_mem>>) src(%dma_wait3A_35 : memref<2000xi32, #tpu.memory_space<hbm>>) dst(%dma_wait3A_34 : memref<2000xi32, #tpu.memory_space<vmem>>)
        tpu.yield
      }) : () -> ()
      %scan3A_16 = arith.constant 0 : i32
      %scan3A_17 = arith.constant 125 : i32
      %scan3A_18 = arith.addi %scan3A_16, %scan3A_17 : i32
      %scan3A_19 = arith.constant 1 : i32
      scf.for %scan3A_21 = %scan3A_16 to %scan3A_18 step %scan3A_19  : i32 {
        %mul3A_22 = arith.constant 16 : i32
        %mul3A_23 = arith.muli %scan3A_21, %mul3A_22 : i32
        %add3A_24 = arith.constant 0 : i32
        %add3A_25 = arith.addi %add3A_24, %mul3A_23 : i32
        %get3A = arith.constant 0 : i32
        %get3A_26 = arith.index_cast %get3A : i32 to index
        %get3A_27 = arith.index_cast %add3A_25 : i32 to index
        %get3A_28 = tpu.vector_load %arg5[%get3A_26, %get3A_27] {strides = array<i32>} : memref<1x2000xi32, #tpu.memory_space<vmem>>, vector<16xi32>,
        tpu.vector_store_idx %arg6[%get3A_28], %broadcast_in_dim3A_1 {add = true} : memref<40000xf32, #tpu.memory_space<vmem>>[vector<16xi32>], vector<16xf32>,
      }
      %scan3A_20 = arith.constant 125 : i32
    }
    %scan3A_5 = arith.constant 5 : i32
    "tpu.region"() ({
      %run_scoped3A = tpu.sem_alloc : memref<!tpu.dma_semaphore, #tpu.memory_space<semaphore_mem>>
      %dma_start3A = arith.constant 0 : i32
      %dma_start3A_6 = tpu.memref_slice %arg4[%add3A, %dma_start3A] : memref<32x40000xf32, #tpu.memory_space<hbm>> -> memref<1x40000xf32, #tpu.memory_space<hbm>>
      %dma_start3A_7 = tpu.memref_squeeze %dma_start3A_6 : memref<1x40000xf32, #tpu.memory_space<hbm>> -> memref<40000xf32, #tpu.memory_space<hbm>>
      %dma_start3A_8 = arith.constant 0 : i32
      %dma_start3A_9 = tpu.memref_slice %arg4[%add3A, %dma_start3A_8] : memref<32x40000xf32, #tpu.memory_space<hbm>> -> memref<1x40000xf32, #tpu.memory_space<hbm>>
      %dma_start3A_10 = tpu.memref_squeeze %dma_start3A_9 : memref<1x40000xf32, #tpu.memory_space<hbm>> -> memref<40000xf32, #tpu.memory_space<hbm>>
      tpu.enqueue_dma source(%arg6 : memref<40000xf32, #tpu.memory_space<vmem>>) target(%dma_start3A_10 : memref<40000xf32, #tpu.memory_space<hbm>>) target_semaphore(%run_scoped3A : memref<!tpu.dma_semaphore, #tpu.memory_space<semaphore_mem>>)
      %dma_wait3A = arith.constant 0 : i32
      %dma_wait3A_11 = tpu.memref_slice %arg4[%add3A, %dma_wait3A] : memref<32x40000xf32, #tpu.memory_space<hbm>> -> memref<1x40000xf32, #tpu.memory_space<hbm>>
      %dma_wait3A_12 = tpu.memref_squeeze %dma_wait3A_11 : memref<1x40000xf32, #tpu.memory_space<hbm>> -> memref<40000xf32, #tpu.memory_space<hbm>>
      %dma_wait3A_13 = arith.constant 0 : i32
      %dma_wait3A_14 = tpu.memref_slice %arg4[%add3A, %dma_wait3A_13] : memref<32x40000xf32, #tpu.memory_space<hbm>> -> memref<1x40000xf32, #tpu.memory_space<hbm>>
      %dma_wait3A_15 = tpu.memref_squeeze %dma_wait3A_14 : memref<1x40000xf32, #tpu.memory_space<hbm>> -> memref<40000xf32, #tpu.memory_space<hbm>>
      tpu.wait_dma2 semaphore(%run_scoped3A : memref<!tpu.dma_semaphore, #tpu.memory_space<semaphore_mem>>) src(%arg6 : memref<40000xf32, #tpu.memory_space<vmem>>) dst(%dma_wait3A_15 : memref<40000xf32, #tpu.memory_space<hbm>>)
      tpu.yield
    }) : () -> ()
    return
  }
}

</mosaic_0001>

<sc_bundles>
// kernel: _sc_hist.3.cloned.1.call-start
scs
__scs_entry_jumppad:
0x0: {  	(pc) =	sbr.rel $0x88, $3  }
0x1: {  	(tag) =	ssettag $0x0;
	lr =	simm.s32 $0x1  }
0x2: {  	[smem:$0x3FA0] =	sst lr;
	_ =	strace $0xD0000000  }
0x3: {  	_ = 	snop  }
0x4: {  	_ = 	snop  }
0x5: {  	_ = 	snop  }
0x6: {  	_ = 	snop  }
0x7: {  	_ = 	snop  }
__scs_overlays_trampoline_lowered:
0x8: {  	[smem:$0x3FAF] =	sst s0  }
0x9: {  	[smem:$0x3FB0] =	sst s1  }
0xa: {  	[smem:$0x3FB1] =	sst s2  }
0xb: {  	[smem:$0x3FB2] =	sst s3  }
0xc: {  	[smem:$0x3FB3] =	sst s4  }
0xd: {  	[smem:$0x3FB4] =	sst s5  }
0xe: {  	[smem:$0x3FB5] =	sst s6  }
0xf: {  	[smem:$0x3FB6] =	sst s7  }
0x10: {  	[smem:$0x3FB7] =	sst s8  }
0x11: {  	[smem:$0x3FB8] =	sst s9;
	s0 =	simm.s32 @!p0 $0x0  }
0x12: {  	s1 =	sld [smem:$0x3F9E];
	s0 =	simm.s32 @p0 $0x1  }
0x13: {  	[smem:$0x3FB9] =	sst s0;
	s0 =	simm.s32 @!p1 $0x0  }
0x14: {  	s2 =	sld [smem:$0x3F9D];
	s0 =	simm.s32 @p1 $0x1  }
0x15: {  	[smem:$0x3FBA] =	sst s0;
	s0 =	simm.s32 @!p2 $0x0  }
0x16: {  	s3 =	sld [smem:$0x3FDB];
	s0 =	simm.s32 @p2 $0x1  }
0x17: {  	s4 =	simm.s32 $0x1BF5;
	[smem:$0x3FBC] =	sst s0  }
0x18: {  	s0 =	sld [smem:$0x3F9F];
	_ =	swait.ge [sflag:s4], $0x0  }
0x19: {  	s7 =	sld [smem:$0x3FA0]  }
0x1a: {  	s8 =	sadd.s32 $0xFFFFE003, lr  }
0x1b: {  	s9 =	sadd.s32 $0xFFFFFEF7, lr;
	s5 =	simm.s32 $0xFFFFFFFF;
	p2 =	slt.u32 s8, $0xFFFFF086  }
0x1c: {  	p1 =	slt.u32 s9, $0xF7A;
	s5 =	simm.s32 @!p2 $0x0  }
0x1d: {  	s5 =	simm.s32 @p1 $0x1;
	p0 =	seq.s32 s7, s2  }
0x1e: {  	s7 =	smul.u32 @!p0 $0xF7A, s2;
	p2 =	seq.s32 @!p0 s5, $0x0  }
0x1f: {  	s9 =	smul.u32 $0xF7A, s1;
	s8 =	simm.s32 @!p0 $0x1BF5;
	p2 =	por !p2, p0  }
0x20: {  	[sflag:s8] =	ssyncset.s32 @!p0 $0xFFFFF086;
	s6 =	sadd.s32 @!p0 s3, s7;
	s7 =	simm.s32 @!p0 $0x108  }
0x21: {  	s3 =	sadd.s32 s3, s9;
	s6 =	sadd.s32 @!p0 $0x88, s6;
	s7 =	simm.s32 @p2 $0x1082  }
0x22: {  	[simem:s7], [sflag:s8] =	dma.local @!p0 [hbm:s6], $0xF7A  }
0x23: {  	s9 =	sor.u32 $0xD0000000, s2;
	s6 =	simm.s32 $0x108;
	_ =	swait.ge @!p0 [sflag:s8], $0x0  }
0x24: {  	s3 =	sadd.s32 $0x88, s3;
	s6 =	simm.s32 @!p1 $0x1082;
	[sflag:s4] =	ssyncset.s32 $0xFFFFF086  }
0x25: {  	[simem:s6], [sflag:s4] =	dma.local [hbm:s3], $0xF7A  }
0x26: {  	[smem:$0x3FA0] =	sst s1;
	(tag) =	ssettag s2;
	_ =	strace s9  }
0x27: {  	s1 =	sld [smem:$0x3FB0]  }
0x28: {  	s2 =	sld [smem:$0x3FB1]  }
0x29: {  	s4 =	sld [smem:$0x3FB3]  }
0x2a: {  	p0 =	seq.s32 s5, $0x0;
	s5 =	sld [smem:$0x3FB4]  }
0x2b: {  	s6 =	sld [smem:$0x3FB5]  }
0x2c: {  	s7 =	sld [smem:$0x3FB6]  }
0x2d: {  	s3 =	simm.s32 $0x108;
	s8 =	sld [smem:$0x3FB7]  }
0x2e: {  	s3 =	simm.s32 @!p0 $0x1082;
	s9 =	sld [smem:$0x3FB8]  }
0x2f: {  	lr =	sadd.s32 s0, s3;
	s0 =	sld [smem:$0x3FAF]  }
0x30: {  	s3 =	sld [smem:$0x3FB2]  }
0x31: {  	[smem:$0x3FBB] =	sst s10  }
0x32: {  	s10 =	sld [smem:$0x3FB9];
	_ =	sdelay $0x3  }
0x33: {  	p0 =	seq.s32 s10, $0x1;
	s10 =	sld [smem:$0x3FBB];
	_ =	sdelay $0x3  }
0x34: {  	[smem:$0x3FBB] =	sst s10  }
0x35: {  	s10 =	sld [smem:$0x3FBA];
	_ =	sdelay $0x3  }
0x36: {  	p1 =	seq.s32 s10, $0x1;
	s10 =	sld [smem:$0x3FBB];
	_ =	sdelay $0x3  }
0x37: {  	[smem:$0x3FBB] =	sst s10  }
0x38: {  	s10 =	sld [smem:$0x3FBC]  }
0x39: {  	_ = 	snop;
	(pc) =	sbr.ind lr, $3  }
0x3a: {  	_ = 	snop  }
0x3b: {  	_ = 	snop  }
0x3c: {  	p2 =	seq.s32 s10, $0x1;
	s10 =	sld [smem:$0x3FBB]  }
0x3d: {  	_ =	shalt  }
0x3e: {  	_ =	shalt  }
0x3f: {  	_ =	shalt  }
0x40: {  	_ =	shalt  }
0x41: {  	_ =	shalt  }
0x42: {  	_ =	shalt  }
0x43: {  	_ =	shalt  }
0x44: {  	_ =	shalt  }
0x45: {  	_ =	shalt  }
0x46: {  	_ =	shalt  }
0x47: {  	_ =	shalt  }
0x48: {  	_ =	shalt  }
0x49: {  	_ =	shalt  }
0x4a: {  	_ =	shalt  }
0x4b: {  	_ =	shalt  }
0x4c: {  	_ =	shalt  }
0x4d: {  	_ =	shalt  }
0x4e: {  	_ =	shalt  }
0x4f: {  	_ =	shalt  }
0x50: {  	_ =	shalt  }
0x51: {  	_ =	shalt  }
0x52: {  	_ =	shalt  }
0x53: {  	_ =	shalt  }
0x54: {  	_ =	shalt  }
0x55: {  	_ =	shalt  }
0x56: {  	_ =	shalt  }
0x57: {  	_ =	shalt  }
0x58: {  	_ =	shalt  }
0x59: {  	_ =	shalt  }
0x5a: {  	_ =	shalt  }
0x5b: {  	_ =	shalt  }
0x5c: {  	_ =	shalt  }
0x5d: {  	_ =	shalt  }
0x5e: {  	_ =	shalt  }
0x5f: {  	_ =	shalt  }
0x60: {  	_ =	shalt  }
0x61: {  	_ =	shalt  }
0x62: {  	_ =	shalt  }
0x63: {  	_ =	shalt  }
0x64: {  	_ =	shalt  }
0x65: {  	_ =	shalt  }
0x66: {  	_ =	shalt  }
0x67: {  	_ =	shalt  }
0x68: {  	_ =	shalt  }
0x69: {  	_ =	shalt  }
0x6a: {  	_ =	shalt  }
0x6b: {  	_ =	shalt  }
0x6c: {  	_ =	shalt  }
0x6d: {  	_ =	shalt  }
0x6e: {  	_ =	shalt  }
0x6f: {  	_ =	shalt  }
0x70: {  	_ =	shalt  }
0x71: {  	_ =	shalt  }
0x72: {  	_ =	shalt  }
0x73: {  	_ =	shalt  }
0x74: {  	_ =	shalt  }
0x75: {  	_ =	shalt  }
0x76: {  	_ =	shalt  }
0x77: {  	_ =	shalt  }
0x78: {  	_ =	shalt  }
0x79: {  	_ =	shalt  }
0x7a: {  	_ =	shalt  }
0x7b: {  	_ =	shalt  }
0x7c: {  	_ =	shalt  }
0x7d: {  	_ =	shalt  }
0x7e: {  	_ =	shalt  }
0x7f: {  	_ =	shalt  }
0x80: {  	_ =	shalt  }
0x81: {  	_ =	shalt  }
0x82: {  	_ =	shalt  }
0x83: {  	_ =	shalt  }
0x84: {  	_ =	shalt  }
0x85: {  	_ =	shalt  }
0x86: {  	_ =	shalt  }
0x87: {  	_ =	shalt  }
.Lfunc_end0:
.L_simem_size_0:
called_computation_lowered:
.L_overlay_start_0:
0x88: {  	s2 =	sld [smem:$0x3FD9]  }
0x89: {  	s3 =	sld [smem:$0x3FFE];
	_ =	sdelay $0x1  }
0x8a: {  	s1 =	srdreg.scid  }
0x8b: {  	s0 =	sand.u32 $0x1, s1  }
0x8c: {  	s17 =	sshll.u32 s0, $0xA;
	s2 =	sadd.s32 s3, s2  }
0x8d: {  	s2 =	sadd.s32 s2, s17  }
0x8e: {  	[smem:$0x3FC7] =	sst s2  }
0x8f: {  	_ = 	snop  }
0x90: {  	s2 =	sld [smem:$0x3FC9]  }
0x91: {  	s18 =	sld [smem:$0x3FD0];
	(tm) =	ssettm $0x1  }
0x92: {  	s4 =	sld [smem:$0x3FFB];
	_ =	sdelay $0x3  }
0x93: {  	_ =	strace s4  }
0x94: {  	s4 =	sld [smem:$0x3FFC];
	_ =	sdelay $0x3  }
0x95: {  	_ =	strace s4  }
0x96: {  	s4 =	sld [smem:$0x3FFD];
	_ =	sdelay $0x3  }
0x97: {  	_ =	strace s4  }
0x98: {  	_ =	strace $0x8FFFFFFF  }
0x99: {  	s19 =	sld [smem:$0x3FDB];
	_ =	sdelay $0x1  }
0x9a: {  	s5 =	simm.s32 $_scs_section_size  }
0x9b: {  	s6 =	simm.s32 $_size__tile_overlayer_lowered;
	s7 =	simm.s32 $_tile_overlayer_lowered  }
0x9c: {  	s22 =	simm.s32 $0x1BFF;
	s21 =	sshll.u32 s7, $0x1;
	s4 =	sadd.s32 s5, s19  }
0x9d: {  	s8 =	simm.s32 $0x0;
	s20 =	sshll.u32 s6, $0x1;
	s6 =	sadd.s32 s21, s4  }
0x9e: {  	[timem:s8], [sflag:s22] =	dma.local [hbm:s6], s20  }
0x9f: {  	_ =	swait.ge [sflag:s22], s20  }
0xa0: {  	s5 =	ssub.s32 $0x0, s20;
	[sflag:s22] =	ssyncset.done $0x0  }
0xa1: {  	[sflag:s22] =	ssyncadd.s32 s5;
	_ =	sdelay $0x1  }
0xa2: {  	s23 =	simm.s32 $0x1B8B  }
0xa3: {  	_ =	swait.ge [sflag:s23], $0x1  }
0xa4: {  	[sflag:s23] =	ssyncset.done $0x0  }
0xa5: {  	s25 =	simm.s32 $0x1B8E;
	s24 =	sld [smem:$0x3FFE];
	[sflag:s23] =	ssyncadd.s32 $0xFFFFFFFF  }
0xa6: {  	s26 =	simm.s32 $execute0_lowered;
	[smem:$0x3FD2] =	sst s25  }
0xa7: {  	s6 =	sshll.u32 s26, $0x1;
	_ =	strace $0x80000046;
	[dreg:$0x1] =	wrdreg $0xFFFFFFFF  }
0xa8: {  	s28 =	simm.s32 $_size_execute0_lowered;
	s4 =	sadd.s32 s4, s6;
	[dreg:$0x0] =	wrdreg $0x0  }
0xa9: {  	s6 =	sshll.u32 s28, $0x1;
	[dreg:$0x2] =	wrdreg s4  }
0xaa: {  	[dreg:$0x3] =	wrdreg s6  }
0xab: {  	[dreg:$0x4] =	wrdreg $0xC0  }
0xac: {  	_ =	task [dreg:s8], $0x5FFFF  }
0xad: {  	[dreg:$0x1] =	wrdreg $0xFFFFFFFF  }
0xae: {  	[dreg:$0x0] =	wrdreg $0x60  }
0xaf: {  	[dreg:$0x2] =	wrdreg s2  }
0xb0: {  	[dreg:$0x3] =	wrdreg s18  }
0xb1: {  	[dreg:$0x4] =	wrdreg s24  }
0xb2: {  	[dreg:$0x5] =	wrdreg $0x9  }
0xb3: {  	_ =	task.clear_ibuf [dreg:s8], $0x6FFFF;
	_ =	strace $0x90000046  }
0xb4: {  	s29 =	simm.s32 $0x9;
	_ =	strace $0x80000048  }
0xb5: {  	_ =	swait.ge [sflag:s29], $0x1  }
0xb6: {  	[sflag:s29] =	ssyncadd.s32 $0xFFFFFFFF  }
0xb7: {  	_ =	strace $0x90000048  }
0xb8: {  	_ =	sfence  }
0xb9: {  	s30 =	sld [smem:$0x0];
	_ =	sdelay $0x2  }
0xba: {  	s31 =	sshll.u32 s1, $0xD;
	s1 =	sshrl.u32 s1, $0x2  }
0xbb: {  	s3 =	sand.u32 $0x4000, s31;
	s1 =	sadd.s32 s1, s30  }
0xbc: {  	s0 =	sor.u32 s3, s0;
	s1 =	sshll.u32 s1, $0x11  }
0xbd: {  	s0 =	sor.u32 s1, s0  }
0xbe: {  	s0 =	sadd.s32 $0x8F2B, s0  }
0xbf: {  	[sflag:s0] =	ssyncadd.remote.s32 $0x1  }
0xc0: {  	_ =	sfence.sel $0xFFFF  }
0xc1: {  	[dreg:$0x0] =	wrdreg $0xFFFFFFFF;
	(pc) =	sbr.abs _section_cstart, $3  }
0xc2: {  	[dreg:$0x1] =	wrdreg $0xFFFFFFFF  }
0xc3: {  	_ =	task.clear_ibuf [dreg:s8], $0x2FFFF;
	_ =	strace $0x9FFFFFFF  }
0xc4: {  	(tm) =	ssettm $0x7FFFFFFF  }
0xc5: {  	_ =	shalt  }
tec
execute0_lowered:
.L_overlay_start_1:
0x0: {  	(tag) =	ssettag $0x1  }
0x1: {  	s6 =	rddreg [dreg:$0x0]  }
0x2: {  	s2 =	rddreg [dreg:$0x1]  }
0x3: {  	s4 =	rddreg [dreg:$0x2]  }
0x4: {  	s3 =	srdreg.scid;
	s1 =	stileid.u32  }
0x5: {  	s0 =	rddreg [dreg:$0x3];
	s11 =	simm.s32 $0x800;
	s12 =	simm.s32 $0x1  }
0x6: {  	s13 =	simm.s32 $0x80;
	s14 =	simm.s32 $0x400;
	s15 =	simm.s32 $0x0  }
0x7: {  	s5 =	sand.u32 $0x1, s3;
	s7 =	sshll.u32 s1, $0x1;
	s8 =	sshrl.u32 s1, $0x2  }
0x8: {  	s3 =	simm.s32 $0x0;
	s7 =	sor.u32 s5, s7;
	s8 =	smul.u32 $0x4E400, s8  }
0x9: {  	[smem:$0x7FF] =	sst s3;
	s9 =	sshll.u32 s7, $0x7;
	s7 =	smul.u32 $0x2710, s7  }
0xa: {  	s5 =	ssub.s32 $0x2, s5;
	_ =	strace $0x80000047;
	s9 =	sand.u32 $0x380, s9  }
0xb: {  	s10 =	sshrl.u32 s5, $0x1;
	s8 =	sor.u32 s8, s9;
	s7 =	sshrl.u32 s7, $0x3  }
0xc: {  	s5 =	ssub.s32 s5, s10;
	s8 =	sshrl.u32 s8, $0x3;
	s6 =	sadd.s32 s6, s7  }
0xd: {  	s5 =	smax.u32 s5, $0x1;
	s4 =	sadd.s32 s4, s8;
	s7 =	sadd.s32 $0xFA, s6  }
0xe: {  	v0 =	vimm.f32 $1.000000000e+00;
	s8 =	sadd.s32 $0x1F4, s6;
	s9 =	sadd.s32 $0x2EE, s6;
	s10 =	sadd.s32 $0x3E8, s6  }
.LBB2_1:
0xf: {  	[tilespmem:s11], [sflag:$0x1] =	stream.linear.gather [hbm4b:s2+s3], $0x9C80, $0x38;
	[tilespmem:$0xA480] =	vst v63  }
0x10: {  	_ =	swait.ge [sflag:s12], $0x9C80  }
0x11: {  	[sflag:s12] =	ssyncset.done $0x0  }
0x12: {  	[sflag:s12] =	ssyncadd.s32 $0xFFFF6380  }
0x13: {  	[tilespmem:s3], [sflag:$0x1] =	stream.linear.gather [hbm4b:s6+s3], $0x7D0, $0x38;
	[tilespmem:$0xA480] =	vst v63  }
0x14: {  	_ =	swait.ge [sflag:s12], $0x7D0  }
0x15: {  	[sflag:s12] =	ssyncset.done $0x0  }
0x16: {  	s17 =	simm.s32 $0x0;
	s16 =	simm.s32 $0x40;
	[sflag:s12] =	ssyncadd.s32 $0xFFFFF830  }
.LBB2_2:
0x17: {  	p0 =	sne.s32 s16, $0x1F00;
	v1 =	vld [tilespmem:s17+$0x0];
	_ =	sdelay $0x3  }
.Ltmp0:
0x18: {  	(pc) =	sbr.rel @p0 .LBB2_2-.Ltmp0, $2  }
0x19: {  	_ =	sdelay $0x2  }
0x1a: {  	s17 =	sshra.s32 s16, $0x2;
	s16 =	sadd.s32 $0x40, s16;
	[tilespmem:v1+s11+$0x0] =	vst.idx.add.f32.msk $0xffff, v0  }
0x1b: {  	v1 =	vld [tilespmem:s17+$0x0];
	_ =	sdelay $0x7  }
0x1c: {  	s16 =	simm.s32 $0x0;
	[tilespmem:v1+s11+$0x0] =	vst.idx.add.f32.msk $0xffff, v0  }
0x1d: {  	[tilespmem:s16], [sflag:$0x1] =	stream.linear.gather [hbm4b:s7+s16], $0x7D0, $0x38;
	[tilespmem:$0xA480] =	vst v63  }
0x1e: {  	_ =	swait.ge [sflag:s12], $0x7D0  }
0x1f: {  	[sflag:s12] =	ssyncset.done $0x0  }
0x20: {  	s17 =	simm.s32 $0x0;
	s16 =	simm.s32 $0x40;
	[sflag:s12] =	ssyncadd.s32 $0xFFFFF830  }
.LBB2_4:
0x21: {  	p0 =	sne.s32 s16, $0x1F00;
	v1 =	vld [tilespmem:s17+$0x0];
	_ =	sdelay $0x3  }
.Ltmp1:
0x22: {  	(pc) =	sbr.rel @p0 .LBB2_4-.Ltmp1, $2  }
0x23: {  	_ =	sdelay $0x2  }
0x24: {  	s17 =	sshra.s32 s16, $0x2;
	s16 =	sadd.s32 $0x40, s16;
	[tilespmem:v1+s11+$0x0] =	vst.idx.add.f32.msk $0xffff, v0  }
0x25: {  	v1 =	vld [tilespmem:s17+$0x0];
	_ =	sdelay $0x7  }
0x26: {  	s16 =	simm.s32 $0x0;
	[tilespmem:v1+s11+$0x0] =	vst.idx.add.f32.msk $0xffff, v0  }
0x27: {  	[tilespmem:s16], [sflag:$0x1] =	stream.linear.gather [hbm4b:s8+s16], $0x7D0, $0x38;
	[tilespmem:$0xA480] =	vst v63  }
0x28: {  	_ =	swait.ge [sflag:s12], $0x7D0  }
0x29: {  	[sflag:s12] =	ssyncset.done $0x0  }
0x2a: {  	s17 =	simm.s32 $0x0;
	s16 =	simm.s32 $0x40;
	[sflag:s12] =	ssyncadd.s32 $0xFFFFF830  }
.LBB2_6:
0x2b: {  	p0 =	sne.s32 s16, $0x1F00;
	v1 =	vld [tilespmem:s17+$0x0];
	_ =	sdelay $0x3  }
.Ltmp2:
0x2c: {  	(pc) =	sbr.rel @p0 .LBB2_6-.Ltmp2, $2  }
0x2d: {  	_ =	sdelay $0x2  }
0x2e: {  	s17 =	sshra.s32 s16, $0x2;
	s16 =	sadd.s32 $0x40, s16;
	[tilespmem:v1+s11+$0x0] =	vst.idx.add.f32.msk $0xffff, v0  }
0x2f: {  	v1 =	vld [tilespmem:s17+$0x0];
	_ =	sdelay $0x7  }
0x30: {  	s16 =	simm.s32 $0x0;
	[tilespmem:v1+s11+$0x0] =	vst.idx.add.f32.msk $0xffff, v0  }
0x31: {  	[tilespmem:s16], [sflag:$0x1] =	stream.linear.gather [hbm4b:s9+s16], $0x7D0, $0x38;
	[tilespmem:$0xA480] =	vst v63  }
0x32: {  	_ =	swait.ge [sflag:s12], $0x7D0  }
0x33: {  	[sflag:s12] =	ssyncset.done $0x0  }
0x34: {  	s17 =	simm.s32 $0x0;
	s16 =	simm.s32 $0x40;
	[sflag:s12] =	ssyncadd.s32 $0xFFFFF830  }
.LBB2_8:
0x35: {  	p0 =	sne.s32 s16, $0x1F00;
	v1 =	vld [tilespmem:s17+$0x0];
	_ =	sdelay $0x3  }
.Ltmp3:
0x36: {  	(pc) =	sbr.rel @p0 .LBB2_8-.Ltmp3, $2  }
0x37: {  	_ =	sdelay $0x2  }
0x38: {  	s17 =	sshra.s32 s16, $0x2;
	s16 =	sadd.s32 $0x40, s16;
	[tilespmem:v1+s11+$0x0] =	vst.idx.add.f32.msk $0xffff, v0  }
0x39: {  	v1 =	vld [tilespmem:s17+$0x0];
	_ =	sdelay $0x7  }
0x3a: {  	s16 =	simm.s32 $0x0;
	[tilespmem:v1+s11+$0x0] =	vst.idx.add.f32.msk $0xffff, v0  }
0x3b: {  	[tilespmem:s16], [sflag:$0x1] =	stream.linear.gather [hbm4b:s10+s16], $0x7D0, $0x38;
	[tilespmem:$0xA480] =	vst v63  }
0x3c: {  	_ =	swait.ge [sflag:s12], $0x7D0  }
0x3d: {  	[sflag:s12] =	ssyncset.done $0x0  }
0x3e: {  	s17 =	simm.s32 $0x0;
	s16 =	simm.s32 $0x40;
	[sflag:s12] =	ssyncadd.s32 $0xFFFFF830  }
.LBB2_10:
0x3f: {  	p0 =	sne.s32 s16, $0x1F00;
	v1 =	vld [tilespmem:s17+$0x0];
	_ =	sdelay $0x3  }
.Ltmp4:
0x40: {  	(pc) =	sbr.rel @p0 .LBB2_10-.Ltmp4, $2  }
0x41: {  	_ =	sdelay $0x2  }
0x42: {  	s17 =	sshra.s32 s16, $0x2;
	s16 =	sadd.s32 $0x40, s16;
	[tilespmem:v1+s11+$0x0] =	vst.idx.add.f32.msk $0xffff, v0  }
0x43: {  	v1 =	vld [tilespmem:s17+$0x0];
	_ =	sdelay $0x5  }
0x44: {  	s15 =	sadd.s32 $0x1, s15  }
0x45: {  	p0 =	sne.s32 s15, s5  }
.Ltmp5:
0x46: {  	[tilespmem:v1+s11+$0x0] =	vst.idx.add.f32.msk $0xffff, v0;
	(pc) =	sbr.rel @p0 .LBB2_1-.Ltmp5, $4  }
0x47: {  	[hbm4b:s4+s13] =	stream.strided.scatter [tilespmem:s11], [sflag:$0x1], $0x9C80, s14, s13, $0x38;
	[tilespmem:$0xA480] =	vst v63  }
0x48: {  	_ =	swait.ge [sflag:s12], $0x9C80  }
0x49: {  	[sflag:s12] =	ssyncset.done $0x0  }
0x4a: {  	[sflag:s12] =	ssyncadd.s32 $0xFFFF6380  }
0x4b: {  	_ =	sfence.sel $0x180000  }
0x4c: {  	[bflag:$0x0] =	sbarrier.arrive $0xFFFF  }
0x4d: {  	p0 =	sne.s32 s1, $0x0;
	_ =	strace $0x90000047  }
0x4e: {  	s0 =	sadd.s32 @!p0 $0x100000, s0;
	[bflag:$0x2] =	sbarrier.arrive $0xFFFF  }
0x4f: {  	[sflag:s0] =	ssyncadd.tile.s32 @!p0 $0x1;
	_ =	shalt  }
.Lfunc_end2:
_tile_overlayer_lowered:
.L_overlay_start_2:
0x50: {  	(tag) =	ssettag $0x2  }
0x51: {  	s0 =	rddreg [dreg:$0x0];
	s2 =	stileid.u32  }
0x52: {  	s1 =	rddreg [dreg:$0x1];
	p0 =	sne.s32 s2, $0x0  }
0x53: {  	s3 =	rddreg [dreg:$0x2];
	[bflag:$0x3] =	sbarrier.arrive $0xFFFF;
	s2 =	simm.s32 @!p0 $0x1C01  }
0x54: {  	[timem:s3], [sflag:s2] =	dma.local @!p0 [hbm:s0], s1  }
0x55: {  	s0 =	simm.s32 @!p0 $0x1  }
0x56: {  	_ =	swait.ge @!p0 [sflag:s0], s1  }
0x57: {  	s1 =	ssub.s32 @!p0 $0x0, s1;
	[sflag:s0] =	ssyncset.done @!p0 $0x0  }
0x58: {  	[sflag:s0] =	ssyncadd.s32 @!p0 s1  }
0x59: {  	[bflag:$0x3] =	sbarrier.arrive $0xFFFF  }
0x5a: {  	_ =	shalt  }

</sc_bundles>
